<compile_context>
chip_gen: v7x
topology: tpu7x:2x2x1
jax: 0.10.2.dev20260603
libtpu: 0.0.44.dev20260713+nightly
codegen_flags: <defaults>
</compile_context>

<pallas_src>
import functools

import jax
import jax.numpy as jnp
from jax import lax
from jax.experimental import pallas as pl
from jax.experimental.pallas import tpu as pltpu
from jax.experimental.pallas import tpu_sc as plsc

NW = 32
CHUNK = 128
D = 16


def _proj_body(xt_ref, w_ref, b_ref, o_ref):
    sub = o_ref.shape[0]
    o_all = lax.dot_general(xt_ref[...], w_ref[...], (((0,), (0,)), ((), ())),
                            preferred_element_type=jnp.float32)
    lane_grp = lax.broadcasted_iota(jnp.int32, (1, 8 * D), 1) // D
    out = o_all[0:sub, :]
    for j in range(1, 8):
        out = jnp.where(lane_grp == j, o_all[j * sub:(j + 1) * sub, :], out)
    o_ref[...] = jnp.maximum(out + b_ref[...], 0.0)


def _tc_proj(features, W, b, block_cols):
    n, sd = features.shape
    nd = W.shape[1]
    xt = features.T
    grid = -(-n // block_cols)
    packed = pl.pallas_call(
        _proj_body,
        grid=(grid,),
        in_specs=[
            pl.BlockSpec((sd, block_cols), lambda i: (0, i)),
            pl.BlockSpec((sd, 8 * nd), lambda i: (0, 0)),
            pl.BlockSpec((1, 8 * nd), lambda i: (0, 0)),
        ],
        out_specs=pl.BlockSpec((block_cols * nd // 128, 128),
                               lambda i: (i, 0)),
        out_shape=jax.ShapeDtypeStruct(
            (grid * block_cols * nd // 128, 128), jnp.float32),
        compiler_params=pltpu.CompilerParams(
            fuse_transposed_lhs_in_matmul=True),
    )(xt, jnp.tile(W, (1, 8)), jnp.tile(b, 8).reshape(1, -1))
    return packed.reshape(grid * block_cols, nd)


def _permute_idx(idx, block_cols):
    t = idx % block_cols
    sub = block_cols // 8
    return (idx - t) + (t % sub) * 8 + t // sub


NBUF = 4


def _make_sc_scatter(K, MP):
    mesh = plsc.VectorSubcoreMesh(core_axis_name="c", subcore_axis_name="s")

    @functools.partial(
        pl.kernel,
        out_type=[
            jax.ShapeDtypeStruct((2, MP, D), jnp.float32),
            jax.ShapeDtypeStruct((2, MP, D), jnp.float32),
        ],
        mesh=mesh,
        scratch_types=[
            pltpu.VMEM((K, CHUNK), jnp.int32),
            pltpu.VMEM((K, CHUNK), jnp.int32),
            pltpu.VMEM((NBUF, CHUNK, D), jnp.float32),
            pltpu.VMEM((CHUNK, D), jnp.float32),
            pltpu.VMEM_SHARED((MP, D), jnp.float32),
            pltpu.VMEM_SHARED((MP, D), jnp.float32),
            pltpu.SemaphoreType.DMA((NBUF,)),
            pltpu.SemaphoreType.DMA,
            pltpu.SemaphoreType.DMA,
        ],
        compiler_params=pltpu.CompilerParams(use_tc_tiling_on_sc=False),
    )
    def sc_scatter(proj_hbm, idx_hbm, lab_hbm, ones_hbm, zeros_hbm,
                   zeros1_hbm, parts_hbm, cnts_hbm,
                   idx_v, lab_v, rows_v, ones_v, bank_sh, cnt_sh,
                   gsem, ssem, csem):
        c = lax.axis_index("c")
        s = lax.axis_index("s")
        wid = c * 16 + s

        @pl.when(s == 0)
        def _init():
            pltpu.sync_copy(zeros_hbm, bank_sh)
            pltpu.sync_copy(zeros_hbm, cnt_sh)

        pltpu.sync_copy(idx_hbm.at[wid], idx_v)
        pltpu.sync_copy(lab_hbm.at[wid], lab_v)
        pltpu.sync_copy(ones_hbm, ones_v)
        plsc.subcore_barrier()

        for k in range(min(NBUF, K)):
            pltpu.async_copy(proj_hbm.at[idx_v.at[k]], rows_v.at[k],
                             gsem.at[k])

        def body(j, carry):
            bsel = lax.rem(j, NBUF)
            pltpu.make_async_copy(proj_hbm.at[idx_v.at[j]], rows_v.at[bsel],
                                  gsem.at[bsel]).wait()
            s1 = pltpu.async_copy(rows_v.at[bsel],
                                  bank_sh.at[lab_v.at[j]], ssem, add=True)
            s2 = pltpu.async_copy(ones_v, cnt_sh.at[lab_v.at[j]], csem,
                                  add=True)
            s1.wait()
            s2.wait()
            nxt = j + NBUF

            @pl.when(nxt < K)
            def _prefetch():
                pltpu.async_copy(proj_hbm.at[idx_v.at[nxt]], rows_v.at[bsel],
                                 gsem.at[bsel])

            return carry

        lax.fori_loop(0, K, body, 0)
        plsc.subcore_barrier()

        @pl.when(s == 0)
        def _flush():
            pltpu.sync_copy(bank_sh, parts_hbm.at[c])
            pltpu.sync_copy(cnt_sh, cnts_hbm.at[c])

    return sc_scatter


def _ep_body(mem_ref, parts_ref, cnts_ref, o_ref):
    ssum = parts_ref[0] + parts_ref[1]
    cnt = cnts_ref[0, :, 0:1] + cnts_ref[1, :, 0:1]
    o_ref[...] = (mem_ref[...] + ssum) / (cnt + 1e-8)


def _tc_epilogue(memory, parts, cnts):
    M = memory.shape[0]
    return pl.pallas_call(
        _ep_body,
        in_specs=[
            pl.BlockSpec((M, D), lambda: (0, 0)),
            pl.BlockSpec((2, M, D), lambda: (0, 0, 0)),
            pl.BlockSpec((2, M, D), lambda: (0, 0, 0)),
        ],
        out_specs=pl.BlockSpec((M, D), lambda: (0, 0)),
        out_shape=jax.ShapeDtypeStruct((M, D), jnp.float32),
    )(memory, parts, cnts)


def kernel(features, idx, labels, memory, W, b):
    B = idx.shape[0]
    M = memory.shape[0]

    per_tile = -(-B // (NW * CHUNK)) * CHUNK
    K = per_tile // CHUNK
    b_pad = NW * per_tile - B
    mp = -(-(M + 1) // 8) * 8

    idx_p = jnp.concatenate(
        [_permute_idx(idx, 16384),
         jnp.zeros((b_pad,), jnp.int32)]).reshape(NW, K, CHUNK)
    lab_p = jnp.concatenate(
        [labels, jnp.full((b_pad,), M, jnp.int32)]).reshape(NW, K, CHUNK)
    ones_pat = jnp.zeros((CHUNK, D), jnp.float32).at[:, 0].set(1.0)
    zeros_pat = jnp.zeros((mp, D), jnp.float32)
    zeros1_pat = jnp.zeros((mp, 1), jnp.float32)

    proj = _tc_proj(features, W, b, block_cols=16384)
    parts, cnts = _make_sc_scatter(K, mp)(proj, idx_p, lab_p, ones_pat,
                                          zeros_pat, zeros1_pat)
    return _tc_epilogue(memory, parts[:, :M], cnts[:, :M])

# --- scband reference (transcript-rebuilt; emitter-appended) ---
"""Pipeline reference for scband-grouping-classifier-22926535426589 (READ-ONLY COPY).

The authoritative reference and input builder live on the scoring server;
editing this copy changes nothing except your own understanding.
"""

import jax, jax.numpy as jnp
import numpy as np


def setup_inputs(seed: int = 0) -> dict:
    key = jax.random.key(seed)
    k1, k2, k3, k4, k5 = jax.random.split(key, 5)
    n_gaussians = 1000000
    src_dim = 48
    identity_dim = 16
    B = 500000
    M = 1024
    features = jax.random.normal(k1, (n_gaussians, src_dim), dtype=jnp.float32)
    idx = jax.random.randint(k2, (B,), 0, n_gaussians, dtype=jnp.int32)
    labels = jax.random.randint(k3, (B,), 0, M, dtype=jnp.int32)
    memory = jnp.zeros((M, identity_dim), dtype=jnp.float32)
    W = jax.random.normal(k4, (src_dim, identity_dim), dtype=jnp.float32) * 0.05
    b = jnp.zeros((identity_dim,), dtype=jnp.float32)
    return {"features": features, "idx": idx, "labels": labels, "memory": memory, "W": W, "b": b}


def reference(features, idx, labels, memory, W, b):
    # Gather per-gaussian source features selected by the front-gaussian masks
    gathered = jnp.take(features, idx, axis=0)                      # [B, src_dim]
    # in_proj: Linear(src_dim -> identity_dim) + ReLU
    proj = jax.nn.relu(gathered @ W + b)                            # [B, identity_dim]
    # Scatter-accumulate projected identities into the per-label memory bank
    mem_new = memory.at[labels].add(proj)                           # [M, identity_dim]
    counts = jnp.zeros((memory.shape[0],), dtype=jnp.float32).at[labels].add(1.0)
    bank = mem_new / (counts[:, None] + 1e-8)                       # mean identity per bank slot
    return bank

if __name__ == "__main__":
    import jax
    _d = setup_inputs()
    print(jax.jit(kernel)(*tuple(_d.values())))

</pallas_src>

<mosaic_0001>
#map = affine_map<(d0, d1) -> (0, 0)>
#map1 = affine_map<(d0, d1) -> (0, 0, 0)>
module attributes {stable_mosaic.version = 14 : i64} {
  func.func @sc_scatter(%arg0: i32, %arg1: i32, %arg2: memref<1015808x16xf32, #tpu.memory_space<hbm>>, %arg3: memref<32x123x128xi32, #tpu.memory_space<hbm>>, %arg4: memref<32x123x128xi32, #tpu.memory_space<hbm>>, %arg5: memref<128x16xf32, #tpu.memory_space<hbm>>, %arg6: memref<1032x16xf32, #tpu.memory_space<hbm>>, %arg7: memref<1032x1xf32, #tpu.memory_space<hbm>>, %arg8: memref<2x1032x16xf32, #tpu.memory_space<hbm>>, %arg9: memref<2x1032x16xf32, #tpu.memory_space<hbm>>, %arg10: memref<123x128xi32, #tpu.memory_space<vmem>>, %arg11: memref<123x128xi32, #tpu.memory_space<vmem>>, %arg12: memref<4x128x16xf32, #tpu.memory_space<vmem>>, %arg13: memref<128x16xf32, #tpu.memory_space<vmem>>, %arg14: memref<1032x16xf32, #tpu.memory_space<vmem_shared>>, %arg15: memref<1032x16xf32, #tpu.memory_space<vmem_shared>>, %arg16: memref<4x!tpu.dma_semaphore, #tpu.memory_space<semaphore_mem>>, %arg17: memref<!tpu.dma_semaphore, #tpu.memory_space<semaphore_mem>>, %arg18: memref<!tpu.dma_semaphore, #tpu.memory_space<semaphore_mem>>) attributes {dimension_semantics = [#tpu.dimension_semantics<core_parallel>, #tpu.dimension_semantics<subcore_parallel>], iteration_bounds = array<i64: 2, 16>, scalar_prefetch = 0 : i64, scratch_operands = 9 : i64, tpu.core_type = #tpu.core_type<sc_vector_subcore>, window_params = [{transform_indices = #map}, {transform_indices = #map1}, {transform_indices = #map1}, {transform_indices = #map}, {transform_indices = #map}, {transform_indices = #map}, {transform_indices = #map1}, {transform_indices = #map1}]} {
    %mul3A = arith.constant 16 : i32
    %mul3A_0 = arith.muli %arg0, %mul3A : i32
    %add3A = arith.addi %mul3A_0, %arg1 : i32
    %eq3A = arith.constant 0 : i32
    %eq3A_1 = arith.cmpi eq, %arg1, %eq3A : i32
    %convert_element_type3A = arith.extui %eq3A_1 : i1 to i32
    %cond3A = arith.constant 0 : i32
    %cond3A_2 = arith.cmpi ne, %convert_element_type3A, %cond3A : i32
    scf.if %cond3A_2 {
      "tpu.region"() ({
        %run_scoped3A = tpu.sem_alloc : memref<!tpu.dma_semaphore, #tpu.memory_space<semaphore_mem>>
        tpu.enqueue_dma source(%arg6 : memref<1032x16xf32, #tpu.memory_space<hbm>>) target(%arg14 : memref<1032x16xf32, #tpu.memory_space<vmem_shared>>) target_semaphore(%run_scoped3A : memref<!tpu.dma_semaphore, #tpu.memory_space<semaphore_mem>>)
        tpu.wait_dma2 semaphore(%run_scoped3A : memref<!tpu.dma_semaphore, #tpu.memory_space<semaphore_mem>>) src(%arg6 : memref<1032x16xf32, #tpu.memory_space<hbm>>) dst(%arg14 : memref<1032x16xf32, #tpu.memory_space<vmem_shared>>)
        tpu.yield
      }) : () -> ()
      "tpu.region"() ({
        %run_scoped3A = tpu.sem_alloc : memref<!tpu.dma_semaphore, #tpu.memory_space<semaphore_mem>>
        tpu.enqueue_dma source(%arg6 : memref<1032x16xf32, #tpu.memory_space<hbm>>) target(%arg15 : memref<1032x16xf32, #tpu.memory_space<vmem_shared>>) target_semaphore(%run_scoped3A : memref<!tpu.dma_semaphore, #tpu.memory_space<semaphore_mem>>)
        tpu.wait_dma2 semaphore(%run_scoped3A : memref<!tpu.dma_semaphore, #tpu.memory_space<semaphore_mem>>) src(%arg6 : memref<1032x16xf32, #tpu.memory_space<hbm>>) dst(%arg15 : memref<1032x16xf32, #tpu.memory_space<vmem_shared>>)
        tpu.yield
      }) : () -> ()
    } else {
    }
    "tpu.region"() ({
      %run_scoped3A = tpu.sem_alloc : memref<!tpu.dma_semaphore, #tpu.memory_space<semaphore_mem>>
      %dma_start3A_73 = arith.constant 0 : i32
      %dma_start3A_74 = arith.constant 0 : i32
      %dma_start3A_75 = tpu.memref_slice %arg3[%add3A, %dma_start3A_73, %dma_start3A_74] : memref<32x123x128xi32, #tpu.memory_space<hbm>> -> memref<1x123x128xi32, #tpu.memory_space<hbm>>
      %dma_start3A_76 = tpu.memref_squeeze %dma_start3A_75 : memref<1x123x128xi32, #tpu.memory_space<hbm>> -> memref<123x128xi32, #tpu.memory_space<hbm>>
      %dma_start3A_77 = arith.constant 0 : i32
      %dma_start3A_78 = arith.constant 0 : i32
      %dma_start3A_79 = tpu.memref_slice %arg3[%add3A, %dma_start3A_77, %dma_start3A_78] : memref<32x123x128xi32, #tpu.memory_space<hbm>> -> memref<1x123x128xi32, #tpu.memory_space<hbm>>
      %dma_start3A_80 = tpu.memref_squeeze %dma_start3A_79 : memref<1x123x128xi32, #tpu.memory_space<hbm>> -> memref<123x128xi32, #tpu.memory_space<hbm>>
      tpu.enqueue_dma source(%dma_start3A_80 : memref<123x128xi32, #tpu.memory_space<hbm>>) target(%arg10 : memref<123x128xi32, #tpu.memory_space<vmem>>) target_semaphore(%run_scoped3A : memref<!tpu.dma_semaphore, #tpu.memory_space<semaphore_mem>>)
      %dma_wait3A = arith.constant 0 : i32
      %dma_wait3A_81 = arith.constant 0 : i32
      %dma_wait3A_82 = tpu.memref_slice %arg3[%add3A, %dma_wait3A, %dma_wait3A_81] : memref<32x123x128xi32, #tpu.memory_space<hbm>> -> memref<1x123x128xi32, #tpu.memory_space<hbm>>
      %dma_wait3A_83 = tpu.memref_squeeze %dma_wait3A_82 : memref<1x123x128xi32, #tpu.memory_space<hbm>> -> memref<123x128xi32, #tpu.memory_space<hbm>>
      %dma_wait3A_84 = arith.constant 0 : i32
      %dma_wait3A_85 = arith.constant 0 : i32
      %dma_wait3A_86 = tpu.memref_slice %arg3[%add3A, %dma_wait3A_84, %dma_wait3A_85] : memref<32x123x128xi32, #tpu.memory_space<hbm>> -> memref<1x123x128xi32, #tpu.memory_space<hbm>>
      %dma_wait3A_87 = tpu.memref_squeeze %dma_wait3A_86 : memref<1x123x128xi32, #tpu.memory_space<hbm>> -> memref<123x128xi32, #tpu.memory_space<hbm>>
      tpu.wait_dma2 semaphore(%run_scoped3A : memref<!tpu.dma_semaphore, #tpu.memory_space<semaphore_mem>>) src(%dma_wait3A_87 : memref<123x128xi32, #tpu.memory_space<hbm>>) dst(%arg10 : memref<123x128xi32, #tpu.memory_space<vmem>>)
      tpu.yield
    }) : () -> ()
    "tpu.region"() ({
      %run_scoped3A = tpu.sem_alloc : memref<!tpu.dma_semaphore, #tpu.memory_space<semaphore_mem>>
      %dma_start3A_73 = arith.constant 0 : i32
      %dma_start3A_74 = arith.constant 0 : i32
      %dma_start3A_75 = tpu.memref_slice %arg4[%add3A, %dma_start3A_73, %dma_start3A_74] : memref<32x123x128xi32, #tpu.memory_space<hbm>> -> memref<1x123x128xi32, #tpu.memory_space<hbm>>
      %dma_start3A_76 = tpu.memref_squeeze %dma_start3A_75 : memref<1x123x128xi32, #tpu.memory_space<hbm>> -> memref<123x128xi32, #tpu.memory_space<hbm>>
      %dma_start3A_77 = arith.constant 0 : i32
      %dma_start3A_78 = arith.constant 0 : i32
      %dma_start3A_79 = tpu.memref_slice %arg4[%add3A, %dma_start3A_77, %dma_start3A_78] : memref<32x123x128xi32, #tpu.memory_space<hbm>> -> memref<1x123x128xi32, #tpu.memory_space<hbm>>
      %dma_start3A_80 = tpu.memref_squeeze %dma_start3A_79 : memref<1x123x128xi32, #tpu.memory_space<hbm>> -> memref<123x128xi32, #tpu.memory_space<hbm>>
      tpu.enqueue_dma source(%dma_start3A_80 : memref<123x128xi32, #tpu.memory_space<hbm>>) target(%arg11 : memref<123x128xi32, #tpu.memory_space<vmem>>) target_semaphore(%run_scoped3A : memref<!tpu.dma_semaphore, #tpu.memory_space<semaphore_mem>>)
      %dma_wait3A = arith.constant 0 : i32
      %dma_wait3A_81 = arith.constant 0 : i32
      %dma_wait3A_82 = tpu.memref_slice %arg4[%add3A, %dma_wait3A, %dma_wait3A_81] : memref<32x123x128xi32, #tpu.memory_space<hbm>> -> memref<1x123x128xi32, #tpu.memory_space<hbm>>
      %dma_wait3A_83 = tpu.memref_squeeze %dma_wait3A_82 : memref<1x123x128xi32, #tpu.memory_space<hbm>> -> memref<123x128xi32, #tpu.memory_space<hbm>>
      %dma_wait3A_84 = arith.constant 0 : i32
      %dma_wait3A_85 = arith.constant 0 : i32
      %dma_wait3A_86 = tpu.memref_slice %arg4[%add3A, %dma_wait3A_84, %dma_wait3A_85] : memref<32x123x128xi32, #tpu.memory_space<hbm>> -> memref<1x123x128xi32, #tpu.memory_space<hbm>>
      %dma_wait3A_87 = tpu.memref_squeeze %dma_wait3A_86 : memref<1x123x128xi32, #tpu.memory_space<hbm>> -> memref<123x128xi32, #tpu.memory_space<hbm>>
      tpu.wait_dma2 semaphore(%run_scoped3A : memref<!tpu.dma_semaphore, #tpu.memory_space<semaphore_mem>>) src(%dma_wait3A_87 : memref<123x128xi32, #tpu.memory_space<hbm>>) dst(%arg11 : memref<123x128xi32, #tpu.memory_space<vmem>>)
      tpu.yield
    }) : () -> ()
    "tpu.region"() ({
      %run_scoped3A = tpu.sem_alloc : memref<!tpu.dma_semaphore, #tpu.memory_space<semaphore_mem>>
      tpu.enqueue_dma source(%arg5 : memref<128x16xf32, #tpu.memory_space<hbm>>) target(%arg13 : memref<128x16xf32, #tpu.memory_space<vmem>>) target_semaphore(%run_scoped3A : memref<!tpu.dma_semaphore, #tpu.memory_space<semaphore_mem>>)
      tpu.wait_dma2 semaphore(%run_scoped3A : memref<!tpu.dma_semaphore, #tpu.memory_space<semaphore_mem>>) src(%arg5 : memref<128x16xf32, #tpu.memory_space<hbm>>) dst(%arg13 : memref<128x16xf32, #tpu.memory_space<vmem>>)
      tpu.yield
    }) : () -> ()
    %barrier3A = arith.constant 0 : index
    tpu.barrier barrier_id(%barrier3A)
    %dma_start3A = arith.constant 0 : i32
    %dma_start3A_3 = arith.constant 0 : i32
    %dma_start3A_4 = arith.constant 0 : i32
    %dma_start3A_5 = arith.constant 0 : i32
    %dma_start3A_6 = arith.constant 0 : i32
    %dma_start3A_7 = tpu.memref_slice %arg12[%dma_start3A_3, %dma_start3A_5, %dma_start3A_6] : memref<4x128x16xf32, #tpu.memory_space<vmem>> -> memref<1x128x16xf32, #tpu.memory_space<vmem>>
    %dma_start3A_8 = tpu.memref_squeeze %dma_start3A_7 : memref<1x128x16xf32, #tpu.memory_space<vmem>> -> memref<128x16xf32, #tpu.memory_space<vmem>>
    %dma_start3A_9 = arith.constant 0 : i32
    %dma_start3A_10 = tpu.memref_slice %arg10[%dma_start3A, %dma_start3A_9] : memref<123x128xi32, #tpu.memory_space<vmem>> -> memref<1x128xi32, #tpu.memory_space<vmem>>
    %dma_start3A_11 = tpu.memref_squeeze %dma_start3A_10 : memref<1x128xi32, #tpu.memory_space<vmem>> -> memref<128xi32, #tpu.memory_space<vmem>>
    %dma_start3A_12 = arith.constant 0 : i32
    %dma_start3A_13 = arith.constant 0 : i32
    %dma_start3A_14 = tpu.memref_slice %arg2[%dma_start3A_12, %dma_start3A_13] : memref<1015808x16xf32, #tpu.memory_space<hbm>> -> memref<1015808x16xf32, #tpu.memory_space<hbm>>
    %dma_start3A_15 = tpu.memref_slice %arg16[%dma_start3A_4] : memref<4x!tpu.dma_semaphore, #tpu.memory_space<semaphore_mem>> -> memref<1x!tpu.dma_semaphore, #tpu.memory_space<semaphore_mem>>
    %dma_start3A_16 = tpu.memref_squeeze %dma_start3A_15 : memref<1x!tpu.dma_semaphore, #tpu.memory_space<semaphore_mem>> -> memref<!tpu.dma_semaphore, #tpu.memory_space<semaphore_mem>>
    tpu.enqueue_indirect_dma source(%dma_start3A_14 : memref<1015808x16xf32, #tpu.memory_space<hbm>>) target(%dma_start3A_8 : memref<128x16xf32, #tpu.memory_space<vmem>>) offsets(%dma_start3A_11 : memref<128xi32, #tpu.memory_space<vmem>>) semaphore(%dma_start3A_16 : memref<!tpu.dma_semaphore, #tpu.memory_space<semaphore_mem>>)
    %dma_start3A_17 = arith.constant 1 : i32
    %dma_start3A_18 = arith.constant 1 : i32
    %dma_start3A_19 = arith.constant 1 : i32
    %dma_start3A_20 = arith.constant 0 : i32
    %dma_start3A_21 = arith.constant 0 : i32
    %dma_start3A_22 = tpu.memref_slice %arg12[%dma_start3A_18, %dma_start3A_20, %dma_start3A_21] : memref<4x128x16xf32, #tpu.memory_space<vmem>> -> memref<1x128x16xf32, #tpu.memory_space<vmem>>
    %dma_start3A_23 = tpu.memref_squeeze %dma_start3A_22 : memref<1x128x16xf32, #tpu.memory_space<vmem>> -> memref<128x16xf32, #tpu.memory_space<vmem>>
    %dma_start3A_24 = arith.constant 0 : i32
    %dma_start3A_25 = tpu.memref_slice %arg10[%dma_start3A_17, %dma_start3A_24] : memref<123x128xi32, #tpu.memory_space<vmem>> -> memref<1x128xi32, #tpu.memory_space<vmem>>
    %dma_start3A_26 = tpu.memref_squeeze %dma_start3A_25 : memref<1x128xi32, #tpu.memory_space<vmem>> -> memref<128xi32, #tpu.memory_space<vmem>>
    %dma_start3A_27 = arith.constant 0 : i32
    %dma_start3A_28 = arith.constant 0 : i32
    %dma_start3A_29 = tpu.memref_slice %arg2[%dma_start3A_27, %dma_start3A_28] : memref<1015808x16xf32, #tpu.memory_space<hbm>> -> memref<1015808x16xf32, #tpu.memory_space<hbm>>
    %dma_start3A_30 = tpu.memref_slice %arg16[%dma_start3A_19] : memref<4x!tpu.dma_semaphore, #tpu.memory_space<semaphore_mem>> -> memref<1x!tpu.dma_semaphore, #tpu.memory_space<semaphore_mem>>
    %dma_start3A_31 = tpu.memref_squeeze %dma_start3A_30 : memref<1x!tpu.dma_semaphore, #tpu.memory_space<semaphore_mem>> -> memref<!tpu.dma_semaphore, #tpu.memory_space<semaphore_mem>>
    tpu.enqueue_indirect_dma source(%dma_start3A_29 : memref<1015808x16xf32, #tpu.memory_space<hbm>>) target(%dma_start3A_23 : memref<128x16xf32, #tpu.memory_space<vmem>>) offsets(%dma_start3A_26 : memref<128xi32, #tpu.memory_space<vmem>>) semaphore(%dma_start3A_31 : memref<!tpu.dma_semaphore, #tpu.memory_space<semaphore_mem>>)
    %dma_start3A_32 = arith.constant 2 : i32
    %dma_start3A_33 = arith.constant 2 : i32
    %dma_start3A_34 = arith.constant 2 : i32
    %dma_start3A_35 = arith.constant 0 : i32
    %dma_start3A_36 = arith.constant 0 : i32
    %dma_start3A_37 = tpu.memref_slice %arg12[%dma_start3A_33, %dma_start3A_35, %dma_start3A_36] : memref<4x128x16xf32, #tpu.memory_space<vmem>> -> memref<1x128x16xf32, #tpu.memory_space<vmem>>
    %dma_start3A_38 = tpu.memref_squeeze %dma_start3A_37 : memref<1x128x16xf32, #tpu.memory_space<vmem>> -> memref<128x16xf32, #tpu.memory_space<vmem>>
    %dma_start3A_39 = arith.constant 0 : i32
    %dma_start3A_40 = tpu.memref_slice %arg10[%dma_start3A_32, %dma_start3A_39] : memref<123x128xi32, #tpu.memory_space<vmem>> -> memref<1x128xi32, #tpu.memory_space<vmem>>
    %dma_start3A_41 = tpu.memref_squeeze %dma_start3A_40 : memref<1x128xi32, #tpu.memory_space<vmem>> -> memref<128xi32, #tpu.memory_space<vmem>>
    %dma_start3A_42 = arith.constant 0 : i32
    %dma_start3A_43 = arith.constant 0 : i32
    %dma_start3A_44 = tpu.memref_slice %arg2[%dma_start3A_42, %dma_start3A_43] : memref<1015808x16xf32, #tpu.memory_space<hbm>> -> memref<1015808x16xf32, #tpu.memory_space<hbm>>
    %dma_start3A_45 = tpu.memref_slice %arg16[%dma_start3A_34] : memref<4x!tpu.dma_semaphore, #tpu.memory_space<semaphore_mem>> -> memref<1x!tpu.dma_semaphore, #tpu.memory_space<semaphore_mem>>
    %dma_start3A_46 = tpu.memref_squeeze %dma_start3A_45 : memref<1x!tpu.dma_semaphore, #tpu.memory_space<semaphore_mem>> -> memref<!tpu.dma_semaphore, #tpu.memory_space<semaphore_mem>>
    tpu.enqueue_indirect_dma source(%dma_start3A_44 : memref<1015808x16xf32, #tpu.memory_space<hbm>>) target(%dma_start3A_38 : memref<128x16xf32, #tpu.memory_space<vmem>>) offsets(%dma_start3A_41 : memref<128xi32, #tpu.memory_space<vmem>>) semaphore(%dma_start3A_46 : memref<!tpu.dma_semaphore, #tpu.memory_space<semaphore_mem>>)
    %dma_start3A_47 = arith.constant 3 : i32
    %dma_start3A_48 = arith.constant 3 : i32
    %dma_start3A_49 = arith.constant 3 : i32
    %dma_start3A_50 = arith.constant 0 : i32
    %dma_start3A_51 = arith.constant 0 : i32
    %dma_start3A_52 = tpu.memref_slice %arg12[%dma_start3A_48, %dma_start3A_50, %dma_start3A_51] : memref<4x128x16xf32, #tpu.memory_space<vmem>> -> memref<1x128x16xf32, #tpu.memory_space<vmem>>
    %dma_start3A_53 = tpu.memref_squeeze %dma_start3A_52 : memref<1x128x16xf32, #tpu.memory_space<vmem>> -> memref<128x16xf32, #tpu.memory_space<vmem>>
    %dma_start3A_54 = arith.constant 0 : i32
    %dma_start3A_55 = tpu.memref_slice %arg10[%dma_start3A_47, %dma_start3A_54] : memref<123x128xi32, #tpu.memory_space<vmem>> -> memref<1x128xi32, #tpu.memory_space<vmem>>
    %dma_start3A_56 = tpu.memref_squeeze %dma_start3A_55 : memref<1x128xi32, #tpu.memory_space<vmem>> -> memref<128xi32, #tpu.memory_space<vmem>>
    %dma_start3A_57 = arith.constant 0 : i32
    %dma_start3A_58 = arith.constant 0 : i32
    %dma_start3A_59 = tpu.memref_slice %arg2[%dma_start3A_57, %dma_start3A_58] : memref<1015808x16xf32, #tpu.memory_space<hbm>> -> memref<1015808x16xf32, #tpu.memory_space<hbm>>
    %dma_start3A_60 = tpu.memref_slice %arg16[%dma_start3A_49] : memref<4x!tpu.dma_semaphore, #tpu.memory_space<semaphore_mem>> -> memref<1x!tpu.dma_semaphore, #tpu.memory_space<semaphore_mem>>
    %dma_start3A_61 = tpu.memref_squeeze %dma_start3A_60 : memref<1x!tpu.dma_semaphore, #tpu.memory_space<semaphore_mem>> -> memref<!tpu.dma_semaphore, #tpu.memory_space<semaphore_mem>>
    tpu.enqueue_indirect_dma source(%dma_start3A_59 : memref<1015808x16xf32, #tpu.memory_space<hbm>>) target(%dma_start3A_53 : memref<128x16xf32, #tpu.memory_space<vmem>>) offsets(%dma_start3A_56 : memref<128xi32, #tpu.memory_space<vmem>>) semaphore(%dma_start3A_61 : memref<!tpu.dma_semaphore, #tpu.memory_space<semaphore_mem>>)
    %scan3A = arith.constant 0 : i32
    %scan3A_62 = arith.constant 0 : i32
    %scan3A_63 = arith.constant 123 : i32
    %scan3A_64 = arith.addi %scan3A_62, %scan3A_63 : i32
    %scan3A_65 = arith.constant 1 : i32
    scf.for %scan3A_73 = %scan3A_62 to %scan3A_64 step %scan3A_65  : i32 {
      %rem3A = arith.constant 4 : i32
      %rem3A_74 = arith.remsi %scan3A_73, %rem3A : i32
      %dma_wait3A = arith.constant 0 : i32
      %dma_wait3A_75 = arith.constant 0 : i32
      %dma_wait3A_76 = tpu.memref_slice %arg12[%rem3A_74, %dma_wait3A, %dma_wait3A_75] : memref<4x128x16xf32, #tpu.memory_space<vmem>> -> memref<1x128x16xf32, #tpu.memory_space<vmem>>
      %dma_wait3A_77 = tpu.memref_squeeze %dma_wait3A_76 : memref<1x128x16xf32, #tpu.memory_space<vmem>> -> memref<128x16xf32, #tpu.memory_space<vmem>>
      %dma_wait3A_78 = arith.constant 0 : i32
      %dma_wait3A_79 = tpu.memref_slice %arg10[%scan3A_73, %dma_wait3A_78] : memref<123x128xi32, #tpu.memory_space<vmem>> -> memref<1x128xi32, #tpu.memory_space<vmem>>
      %dma_wait3A_80 = tpu.memref_squeeze %dma_wait3A_79 : memref<1x128xi32, #tpu.memory_space<vmem>> -> memref<128xi32, #tpu.memory_space<vmem>>
      %dma_wait3A_81 = arith.constant 0 : i32
      %dma_wait3A_82 = arith.constant 0 : i32
      %dma_wait3A_83 = tpu.memref_slice %arg2[%dma_wait3A_81, %dma_wait3A_82] : memref<1015808x16xf32, #tpu.memory_space<hbm>> -> memref<1015808x16xf32, #tpu.memory_space<hbm>>
      %dma_wait3A_84 = tpu.memref_slice %arg16[%rem3A_74] : memref<4x!tpu.dma_semaphore, #tpu.memory_space<semaphore_mem>> -> memref<1x!tpu.dma_semaphore, #tpu.memory_space<semaphore_mem>>
      %dma_wait3A_85 = tpu.memref_squeeze %dma_wait3A_84 : memref<1x!tpu.dma_semaphore, #tpu.memory_space<semaphore_mem>> -> memref<!tpu.dma_semaphore, #tpu.memory_space<semaphore_mem>>
      tpu.wait_indirect_dma semaphore(%dma_wait3A_85 : memref<!tpu.dma_semaphore, #tpu.memory_space<semaphore_mem>>) src(%dma_wait3A_83 : memref<1015808x16xf32, #tpu.memory_space<hbm>>) dst(%dma_wait3A_77 : memref<128x16xf32, #tpu.memory_space<vmem>>)
      %dma_start3A_86 = arith.constant 0 : i32
      %dma_start3A_87 = arith.constant 0 : i32
      %dma_start3A_88 = tpu.memref_slice %arg12[%rem3A_74, %dma_start3A_86, %dma_start3A_87] : memref<4x128x16xf32, #tpu.memory_space<vmem>> -> memref<1x128x16xf32, #tpu.memory_space<vmem>>
      %dma_start3A_89 = tpu.memref_squeeze %dma_start3A_88 : memref<1x128x16xf32, #tpu.memory_space<vmem>> -> memref<128x16xf32, #tpu.memory_space<vmem>>
      %dma_start3A_90 = arith.constant 0 : i32
      %dma_start3A_91 = tpu.memref_slice %arg11[%scan3A_73, %dma_start3A_90] : memref<123x128xi32, #tpu.memory_space<vmem>> -> memref<1x128xi32, #tpu.memory_space<vmem>>
      %dma_start3A_92 = tpu.memref_squeeze %dma_start3A_91 : memref<1x128xi32, #tpu.memory_space<vmem>> -> memref<128xi32, #tpu.memory_space<vmem>>
      %dma_start3A_93 = arith.constant 0 : i32
      %dma_start3A_94 = arith.constant 0 : i32
      %dma_start3A_95 = tpu.memref_slice %arg14[%dma_start3A_93, %dma_start3A_94] : memref<1032x16xf32, #tpu.memory_space<vmem_shared>> -> memref<1032x16xf32, #tpu.memory_space<vmem_shared>>
      tpu.enqueue_indirect_dma source(%dma_start3A_89 : memref<128x16xf32, #tpu.memory_space<vmem>>) target(%dma_start3A_95 : memref<1032x16xf32, #tpu.memory_space<vmem_shared>>) offsets(%dma_start3A_92 : memref<128xi32, #tpu.memory_space<vmem>>) semaphore(%arg17 : memref<!tpu.dma_semaphore, #tpu.memory_space<semaphore_mem>>) {add = true}
      %dma_start3A_96 = arith.constant 0 : i32
      %dma_start3A_97 = tpu.memref_slice %arg11[%scan3A_73, %dma_start3A_96] : memref<123x128xi32, #tpu.memory_space<vmem>> -> memref<1x128xi32, #tpu.memory_space<vmem>>
      %dma_start3A_98 = tpu.memref_squeeze %dma_start3A_97 : memref<1x128xi32, #tpu.memory_space<vmem>> -> memref<128xi32, #tpu.memory_space<vmem>>
      %dma_start3A_99 = arith.constant 0 : i32
      %dma_start3A_100 = arith.constant 0 : i32
      %dma_start3A_101 = tpu.memref_slice %arg15[%dma_start3A_99, %dma_start3A_100] : memref<1032x16xf32, #tpu.memory_space<vmem_shared>> -> memref<1032x16xf32, #tpu.memory_space<vmem_shared>>
      tpu.enqueue_indirect_dma source(%arg13 : memref<128x16xf32, #tpu.memory_space<vmem>>) target(%dma_start3A_101 : memref<1032x16xf32, #tpu.memory_space<vmem_shared>>) offsets(%dma_start3A_98 : memref<128xi32, #tpu.memory_space<vmem>>) semaphore(%arg18 : memref<!tpu.dma_semaphore, #tpu.memory_space<semaphore_mem>>) {add = true}
      %dma_wait3A_102 = arith.constant 0 : i32
      %dma_wait3A_103 = arith.constant 0 : i32
      %dma_wait3A_104 = tpu.memref_slice %arg12[%rem3A_74, %dma_wait3A_102, %dma_wait3A_103] : memref<4x128x16xf32, #tpu.memory_space<vmem>> -> memref<1x128x16xf32, #tpu.memory_space<vmem>>
      %dma_wait3A_105 = tpu.memref_squeeze %dma_wait3A_104 : memref<1x128x16xf32, #tpu.memory_space<vmem>> -> memref<128x16xf32, #tpu.memory_space<vmem>>
      %dma_wait3A_106 = arith.constant 0 : i32
      %dma_wait3A_107 = tpu.memref_slice %arg11[%scan3A_73, %dma_wait3A_106] : memref<123x128xi32, #tpu.memory_space<vmem>> -> memref<1x128xi32, #tpu.memory_space<vmem>>
      %dma_wait3A_108 = tpu.memref_squeeze %dma_wait3A_107 : memref<1x128xi32, #tpu.memory_space<vmem>> -> memref<128xi32, #tpu.memory_space<vmem>>
      %dma_wait3A_109 = arith.constant 0 : i32
      %dma_wait3A_110 = arith.constant 0 : i32
      %dma_wait3A_111 = tpu.memref_slice %arg14[%dma_wait3A_109, %dma_wait3A_110] : memref<1032x16xf32, #tpu.memory_space<vmem_shared>> -> memref<1032x16xf32, #tpu.memory_space<vmem_shared>>
      tpu.wait_indirect_dma semaphore(%arg17 : memref<!tpu.dma_semaphore, #tpu.memory_space<semaphore_mem>>) src(%dma_wait3A_105 : memref<128x16xf32, #tpu.memory_space<vmem>>) dst(%dma_wait3A_111 : memref<1032x16xf32, #tpu.memory_space<vmem_shared>>)
      %dma_wait3A_112 = arith.constant 0 : i32
      %dma_wait3A_113 = tpu.memref_slice %arg11[%scan3A_73, %dma_wait3A_112] : memref<123x128xi32, #tpu.memory_space<vmem>> -> memref<1x128xi32, #tpu.memory_space<vmem>>
      %dma_wait3A_114 = tpu.memref_squeeze %dma_wait3A_113 : memref<1x128xi32, #tpu.memory_space<vmem>> -> memref<128xi32, #tpu.memory_space<vmem>>
      %dma_wait3A_115 = arith.constant 0 : i32
      %dma_wait3A_116 = arith.constant 0 : i32
      %dma_wait3A_117 = tpu.memref_slice %arg15[%dma_wait3A_115, %dma_wait3A_116] : memref<1032x16xf32, #tpu.memory_space<vmem_shared>> -> memref<1032x16xf32, #tpu.memory_space<vmem_shared>>
      tpu.wait_indirect_dma semaphore(%arg18 : memref<!tpu.dma_semaphore, #tpu.memory_space<semaphore_mem>>) src(%arg13 : memref<128x16xf32, #tpu.memory_space<vmem>>) dst(%dma_wait3A_117 : memref<1032x16xf32, #tpu.memory_space<vmem_shared>>)
      %add3A_118 = arith.constant 4 : i32
      %add3A_119 = arith.addi %scan3A_73, %add3A_118 : i32
      %lt3A = arith.constant 123 : i32
      %lt3A_120 = arith.cmpi slt, %add3A_119, %lt3A : i32
      %convert_element_type3A_121 = arith.extui %lt3A_120 : i1 to i32
      %cond3A_122 = arith.constant 0 : i32
      %cond3A_123 = arith.cmpi ne, %convert_element_type3A_121, %cond3A_122 : i32
      scf.if %cond3A_123 {
        %dma_start3A_124 = arith.constant 0 : i32
        %dma_start3A_125 = arith.constant 0 : i32
        %dma_start3A_126 = tpu.memref_slice %arg12[%rem3A_74, %dma_start3A_124, %dma_start3A_125] : memref<4x128x16xf32, #tpu.memory_space<vmem>> -> memref<1x128x16xf32, #tpu.memory_space<vmem>>
        %dma_start3A_127 = tpu.memref_squeeze %dma_start3A_126 : memref<1x128x16xf32, #tpu.memory_space<vmem>> -> memref<128x16xf32, #tpu.memory_space<vmem>>
        %dma_start3A_128 = arith.constant 0 : i32
        %dma_start3A_129 = tpu.memref_slice %arg10[%add3A_119, %dma_start3A_128] : memref<123x128xi32, #tpu.memory_space<vmem>> -> memref<1x128xi32, #tpu.memory_space<vmem>>
        %dma_start3A_130 = tpu.memref_squeeze %dma_start3A_129 : memref<1x128xi32, #tpu.memory_space<vmem>> -> memref<128xi32, #tpu.memory_space<vmem>>
        %dma_start3A_131 = arith.constant 0 : i32
        %dma_start3A_132 = arith.constant 0 : i32
        %dma_start3A_133 = tpu.memref_slice %arg2[%dma_start3A_131, %dma_start3A_132] : memref<1015808x16xf32, #tpu.memory_space<hbm>> -> memref<1015808x16xf32, #tpu.memory_space<hbm>>
        %dma_start3A_134 = tpu.memref_slice %arg16[%rem3A_74] : memref<4x!tpu.dma_semaphore, #tpu.memory_space<semaphore_mem>> -> memref<1x!tpu.dma_semaphore, #tpu.memory_space<semaphore_mem>>
        %dma_start3A_135 = tpu.memref_squeeze %dma_start3A_134 : memref<1x!tpu.dma_semaphore, #tpu.memory_space<semaphore_mem>> -> memref<!tpu.dma_semaphore, #tpu.memory_space<semaphore_mem>>
        tpu.enqueue_indirect_dma source(%dma_start3A_133 : memref<1015808x16xf32, #tpu.memory_space<hbm>>) target(%dma_start3A_127 : memref<128x16xf32, #tpu.memory_space<vmem>>) offsets(%dma_start3A_130 : memref<128xi32, #tpu.memory_space<vmem>>) semaphore(%dma_start3A_135 : memref<!tpu.dma_semaphore, #tpu.memory_space<semaphore_mem>>)
      } else {
      }
    }
    %scan3A_66 = arith.constant 123 : i32
    %barrier3A_67 = arith.constant 0 : index
    tpu.barrier barrier_id(%barrier3A_67)
    %eq3A_68 = arith.constant 0 : i32
    %eq3A_69 = arith.cmpi eq, %arg1, %eq3A_68 : i32
    %convert_element_type3A_70 = arith.extui %eq3A_69 : i1 to i32
    %cond3A_71 = arith.constant 0 : i32
    %cond3A_72 = arith.cmpi ne, %convert_element_type3A_70, %cond3A_71 : i32
    scf.if %cond3A_72 {
      "tpu.region"() ({
        %run_scoped3A = tpu.sem_alloc : memref<!tpu.dma_semaphore, #tpu.memory_space<semaphore_mem>>
        %dma_start3A_73 = arith.constant 0 : i32
        %dma_start3A_74 = arith.constant 0 : i32
        %dma_start3A_75 = tpu.memref_slice %arg8[%arg0, %dma_start3A_73, %dma_start3A_74] : memref<2x1032x16xf32, #tpu.memory_space<hbm>> -> memref<1x1032x16xf32, #tpu.memory_space<hbm>>
        %dma_start3A_76 = tpu.memref_squeeze %dma_start3A_75 : memref<1x1032x16xf32, #tpu.memory_space<hbm>> -> memref<1032x16xf32, #tpu.memory_space<hbm>>
        tpu.enqueue_dma source(%arg14 : memref<1032x16xf32, #tpu.memory_space<vmem_shared>>) target(%dma_start3A_76 : memref<1032x16xf32, #tpu.memory_space<hbm>>) target_semaphore(%run_scoped3A : memref<!tpu.dma_semaphore, #tpu.memory_space<semaphore_mem>>)
        %dma_wait3A = arith.constant 0 : i32
        %dma_wait3A_77 = arith.constant 0 : i32
        %dma_wait3A_78 = tpu.memref_slice %arg8[%arg0, %dma_wait3A, %dma_wait3A_77] : memref<2x1032x16xf32, #tpu.memory_space<hbm>> -> memref<1x1032x16xf32, #tpu.memory_space<hbm>>
        %dma_wait3A_79 = tpu.memref_squeeze %dma_wait3A_78 : memref<1x1032x16xf32, #tpu.memory_space<hbm>> -> memref<1032x16xf32, #tpu.memory_space<hbm>>
        tpu.wait_dma2 semaphore(%run_scoped3A : memref<!tpu.dma_semaphore, #tpu.memory_space<semaphore_mem>>) src(%arg14 : memref<1032x16xf32, #tpu.memory_space<vmem_shared>>) dst(%dma_wait3A_79 : memref<1032x16xf32, #tpu.memory_space<hbm>>)
        tpu.yield
      }) : () -> ()
      "tpu.region"() ({
        %run_scoped3A = tpu.sem_alloc : memref<!tpu.dma_semaphore, #tpu.memory_space<semaphore_mem>>
        %dma_start3A_73 = arith.constant 0 : i32
        %dma_start3A_74 = arith.constant 0 : i32
        %dma_start3A_75 = tpu.memref_slice %arg9[%arg0, %dma_start3A_73, %dma_start3A_74] : memref<2x1032x16xf32, #tpu.memory_space<hbm>> -> memref<1x1032x16xf32, #tpu.memory_space<hbm>>
        %dma_start3A_76 = tpu.memref_squeeze %dma_start3A_75 : memref<1x1032x16xf32, #tpu.memory_space<hbm>> -> memref<1032x16xf32, #tpu.memory_space<hbm>>
        tpu.enqueue_dma source(%arg15 : memref<1032x16xf32, #tpu.memory_space<vmem_shared>>) target(%dma_start3A_76 : memref<1032x16xf32, #tpu.memory_space<hbm>>) target_semaphore(%run_scoped3A : memref<!tpu.dma_semaphore, #tpu.memory_space<semaphore_mem>>)
        %dma_wait3A = arith.constant 0 : i32
        %dma_wait3A_77 = arith.constant 0 : i32
        %dma_wait3A_78 = tpu.memref_slice %arg9[%arg0, %dma_wait3A, %dma_wait3A_77] : memref<2x1032x16xf32, #tpu.memory_space<hbm>> -> memref<1x1032x16xf32, #tpu.memory_space<hbm>>
        %dma_wait3A_79 = tpu.memref_squeeze %dma_wait3A_78 : memref<1x1032x16xf32, #tpu.memory_space<hbm>> -> memref<1032x16xf32, #tpu.memory_space<hbm>>
        tpu.wait_dma2 semaphore(%run_scoped3A : memref<!tpu.dma_semaphore, #tpu.memory_space<semaphore_mem>>) src(%arg15 : memref<1032x16xf32, #tpu.memory_space<vmem_shared>>) dst(%dma_wait3A_79 : memref<1032x16xf32, #tpu.memory_space<hbm>>)
        tpu.yield
      }) : () -> ()
    } else {
    }
    return
  }
}

module attributes {stable_mosaic.version = 14 : i64} {
  func.func @_proj_body(%arg0: i32, %arg1: memref<48x16384xf32, #tpu.memory_space<vmem>>, %arg2: memref<48x128xf32, #tpu.memory_space<vmem>>, %arg3: memref<1x128xf32, #tpu.memory_space<vmem>>, %arg4: memref<2048x128xf32, #tpu.memory_space<vmem>>) attributes {dimension_semantics = [#tpu.dimension_semantics<arbitrary>], iteration_bounds = array<i64: 62>, scalar_prefetch = 0 : i64, scratch_operands = 0 : i64, tpu.core_type = #tpu.core_type<tc>, window_params = [{transform_indices = @transform_0, window_bounds = array<i64: 48, 16384>}, {pipeline_mode = #tpu.pipeline_mode<synchronous>, transform_indices = @transform_1, window_bounds = array<i64: 48, 128>}, {pipeline_mode = #tpu.pipeline_mode<synchronous>, transform_indices = @transform_2, window_bounds = array<i64: 1, 128>}, {transform_indices = @transform_3, window_bounds = array<i64: 2048, 128>}]} {
    %get3A = arith.constant 0 : index
    %get3A_0 = arith.constant 0 : index
    %get3A_1 = vector.load %arg1[%get3A, %get3A_0] : memref<48x16384xf32, #tpu.memory_space<vmem>>, vector<48x16384xf32>
    %get3A_2 = arith.constant 0 : index
    %get3A_3 = arith.constant 0 : index
    %get3A_4 = vector.load %arg2[%get3A_2, %get3A_3] : memref<48x128xf32, #tpu.memory_space<vmem>>, vector<48x128xf32>
    %dot_general3A = arith.constant dense<0.000000e+00> : vector<16384x128xf32>
    %dot_general3A_5 = tpu.matmul %get3A_1, %get3A_4, %dot_general3A {dimension_numbers = #tpu.dot_dimension_numbers<[0], [0], [1], [1], [0, 1, 1, 1], [], []>, transpose_lhs_hint = true} : vector<48x16384xf32>, vector<48x128xf32>, vector<16384x128xf32> -> vector<16384x128xf32>
    %iota3A = tpu.iota {dimensions = array<i32: 1>} : vector<1x128xi32>
    %jit3A = arith.constant 16 : i32
    %div3A = vector.broadcast %jit3A : i32 to vector<1x128xi32>
    %div3A_6 = arith.divsi %iota3A, %div3A : vector<1x128xi32>
    %sign3A = arith.constant 0 : i32
    %sign3A_7 = vector.broadcast %sign3A : i32 to vector<1x128xi32>
    %sign3A_8 = arith.cmpi sgt, %iota3A, %sign3A_7 : vector<1x128xi32>
    %sign3A_9 = arith.extui %sign3A_8 : vector<1x128xi1> to vector<1x128xi32>
    %sign3A_10 = arith.constant 0 : i32
    %sign3A_11 = vector.broadcast %sign3A_10 : i32 to vector<1x128xi32>
    %sign3A_12 = arith.cmpi slt, %iota3A, %sign3A_11 : vector<1x128xi32>
    %sign3A_13 = arith.extui %sign3A_12 : vector<1x128xi1> to vector<1x128xi32>
    %sign3A_14 = arith.subi %sign3A_9, %sign3A_13 : vector<1x128xi32>
    %sign3A_15 = arith.constant 0 : i32
    %sign3A_16 = arith.cmpi sgt, %jit3A, %sign3A_15 : i32
    %sign3A_17 = arith.extui %sign3A_16 : i1 to i32
    %sign3A_18 = arith.constant 0 : i32
    %sign3A_19 = arith.cmpi slt, %jit3A, %sign3A_18 : i32
    %sign3A_20 = arith.extui %sign3A_19 : i1 to i32
    %sign3A_21 = arith.subi %sign3A_17, %sign3A_20 : i32
    %ne3A = vector.broadcast %sign3A_21 : i32 to vector<1x128xi32>
    %ne3A_22 = arith.cmpi ne, %sign3A_14, %ne3A : vector<1x128xi32>
    %rem3A = vector.broadcast %jit3A : i32 to vector<1x128xi32>
    %rem3A_23 = arith.remsi %iota3A, %rem3A : vector<1x128xi32>
    %ne3A_24 = arith.constant 0 : i32
    %ne3A_25 = vector.broadcast %ne3A_24 : i32 to vector<1x128xi32>
    %ne3A_26 = arith.cmpi ne, %rem3A_23, %ne3A_25 : vector<1x128xi32>
    %and3A = arith.andi %ne3A_22, %ne3A_26 : vector<1x128xi1>
    %sub3A = arith.constant 1 : i32
    %sub3A_27 = vector.broadcast %sub3A : i32 to vector<1x128xi32>
    %sub3A_28 = arith.subi %div3A_6, %sub3A_27 : vector<1x128xi32>
    %select_n3A = arith.select %and3A, %sub3A_28, %div3A_6 : vector<1x128xi1>, vector<1x128xi32>
    %slice3A = vector.extract_strided_slice %dot_general3A_5 {offsets = [0, 0], sizes = [2048, 128], strides = [1, 1]} : vector<16384x128xf32> to vector<2048x128xf32>
    %eq3A = arith.constant 1 : i32
    %eq3A_29 = vector.broadcast %eq3A : i32 to vector<1x128xi32>
    %eq3A_30 = arith.cmpi eq, %select_n3A, %eq3A_29 : vector<1x128xi32>
    %slice3A_31 = vector.extract_strided_slice %dot_general3A_5 {offsets = [2048, 0], sizes = [2048, 128], strides = [1, 1]} : vector<16384x128xf32> to vector<2048x128xf32>
    %broadcast_in_dim3A = vector.shape_cast %eq3A_30 : vector<1x128xi1> to vector<1x128xi1>
    %broadcast_in_dim3A_32 = vector.broadcast %broadcast_in_dim3A : vector<1x128xi1> to vector<2048x128xi1>
    %select_n3A_33 = arith.select %broadcast_in_dim3A_32, %slice3A_31, %slice3A : vector<2048x128xi1>, vector<2048x128xf32>
    %eq3A_34 = arith.constant 2 : i32
    %eq3A_35 = vector.broadcast %eq3A_34 : i32 to vector<1x128xi32>
    %eq3A_36 = arith.cmpi eq, %select_n3A, %eq3A_35 : vector<1x128xi32>
    %slice3A_37 = vector.extract_strided_slice %dot_general3A_5 {offsets = [4096, 0], sizes = [2048, 128], strides = [1, 1]} : vector<16384x128xf32> to vector<2048x128xf32>
    %broadcast_in_dim3A_38 = vector.shape_cast %eq3A_36 : vector<1x128xi1> to vector<1x128xi1>
    %broadcast_in_dim3A_39 = vector.broadcast %broadcast_in_dim3A_38 : vector<1x128xi1> to vector<2048x128xi1>
    %select_n3A_40 = arith.select %broadcast_in_dim3A_39, %slice3A_37, %select_n3A_33 : vector<2048x128xi1>, vector<2048x128xf32>
    %eq3A_41 = arith.constant 3 : i32
    %eq3A_42 = vector.broadcast %eq3A_41 : i32 to vector<1x128xi32>
    %eq3A_43 = arith.cmpi eq, %select_n3A, %eq3A_42 : vector<1x128xi32>
    %slice3A_44 = vector.extract_strided_slice %dot_general3A_5 {offsets = [6144, 0], sizes = [2048, 128], strides = [1, 1]} : vector<16384x128xf32> to vector<2048x128xf32>
    %broadcast_in_dim3A_45 = vector.shape_cast %eq3A_43 : vector<1x128xi1> to vector<1x128xi1>
    %broadcast_in_dim3A_46 = vector.broadcast %broadcast_in_dim3A_45 : vector<1x128xi1> to vector<2048x128xi1>
    %select_n3A_47 = arith.select %broadcast_in_dim3A_46, %slice3A_44, %select_n3A_40 : vector<2048x128xi1>, vector<2048x128xf32>
    %eq3A_48 = arith.constant 4 : i32
    %eq3A_49 = vector.broadcast %eq3A_48 : i32 to vector<1x128xi32>
    %eq3A_50 = arith.cmpi eq, %select_n3A, %eq3A_49 : vector<1x128xi32>
    %slice3A_51 = vector.extract_strided_slice %dot_general3A_5 {offsets = [8192, 0], sizes = [2048, 128], strides = [1, 1]} : vector<16384x128xf32> to vector<2048x128xf32>
    %broadcast_in_dim3A_52 = vector.shape_cast %eq3A_50 : vector<1x128xi1> to vector<1x128xi1>
    %broadcast_in_dim3A_53 = vector.broadcast %broadcast_in_dim3A_52 : vector<1x128xi1> to vector<2048x128xi1>
    %select_n3A_54 = arith.select %broadcast_in_dim3A_53, %slice3A_51, %select_n3A_47 : vector<2048x128xi1>, vector<2048x128xf32>
    %eq3A_55 = arith.constant 5 : i32
    %eq3A_56 = vector.broadcast %eq3A_55 : i32 to vector<1x128xi32>
    %eq3A_57 = arith.cmpi eq, %select_n3A, %eq3A_56 : vector<1x128xi32>
    %slice3A_58 = vector.extract_strided_slice %dot_general3A_5 {offsets = [10240, 0], sizes = [2048, 128], strides = [1, 1]} : vector<16384x128xf32> to vector<2048x128xf32>
    %broadcast_in_dim3A_59 = vector.shape_cast %eq3A_57 : vector<1x128xi1> to vector<1x128xi1>
    %broadcast_in_dim3A_60 = vector.broadcast %broadcast_in_dim3A_59 : vector<1x128xi1> to vector<2048x128xi1>
    %select_n3A_61 = arith.select %broadcast_in_dim3A_60, %slice3A_58, %select_n3A_54 : vector<2048x128xi1>, vector<2048x128xf32>
    %eq3A_62 = arith.constant 6 : i32
    %eq3A_63 = vector.broadcast %eq3A_62 : i32 to vector<1x128xi32>
    %eq3A_64 = arith.cmpi eq, %select_n3A, %eq3A_63 : vector<1x128xi32>
    %slice3A_65 = vector.extract_strided_slice %dot_general3A_5 {offsets = [12288, 0], sizes = [2048, 128], strides = [1, 1]} : vector<16384x128xf32> to vector<2048x128xf32>
    %broadcast_in_dim3A_66 = vector.shape_cast %eq3A_64 : vector<1x128xi1> to vector<1x128xi1>
    %broadcast_in_dim3A_67 = vector.broadcast %broadcast_in_dim3A_66 : vector<1x128xi1> to vector<2048x128xi1>
    %select_n3A_68 = arith.select %broadcast_in_dim3A_67, %slice3A_65, %select_n3A_61 : vector<2048x128xi1>, vector<2048x128xf32>
    %eq3A_69 = arith.constant 7 : i32
    %eq3A_70 = vector.broadcast %eq3A_69 : i32 to vector<1x128xi32>
    %eq3A_71 = arith.cmpi eq, %select_n3A, %eq3A_70 : vector<1x128xi32>
    %slice3A_72 = vector.extract_strided_slice %dot_general3A_5 {offsets = [14336, 0], sizes = [2048, 128], strides = [1, 1]} : vector<16384x128xf32> to vector<2048x128xf32>
    %broadcast_in_dim3A_73 = vector.shape_cast %eq3A_71 : vector<1x128xi1> to vector<1x128xi1>
    %broadcast_in_dim3A_74 = vector.broadcast %broadcast_in_dim3A_73 : vector<1x128xi1> to vector<2048x128xi1>
    %select_n3A_75 = arith.select %broadcast_in_dim3A_74, %slice3A_72, %select_n3A_68 : vector<2048x128xi1>, vector<2048x128xf32>
    %get3A_76 = arith.constant 0 : index
    %get3A_77 = arith.constant 0 : index
    %get3A_78 = vector.load %arg3[%get3A_76, %get3A_77] : memref<1x128xf32, #tpu.memory_space<vmem>>, vector<1x128xf32>
    %add3A = vector.broadcast %get3A_78 : vector<1x128xf32> to vector<2048x128xf32>
    %add3A_79 = arith.addf %select_n3A_75, %add3A : vector<2048x128xf32>
    %max3A = arith.constant 0.000000e+00 : f32
    %max3A_80 = vector.broadcast %max3A : f32 to vector<2048x128xf32>
    %max3A_81 = arith.maximumf %add3A_79, %max3A_80 : vector<2048x128xf32>
    %swap3A = arith.constant 0 : index
    %swap3A_82 = arith.constant 0 : index
    %swap3A_83 = vector.load %arg4[%swap3A, %swap3A_82] : memref<2048x128xf32, #tpu.memory_space<vmem>>, vector<2048x128xf32>
    tpu.vector_store %arg4[%swap3A, %swap3A_82], %max3A_81 {strides = array<i32>} : memref<2048x128xf32, #tpu.memory_space<vmem>>, vector<2048x128xf32>,
    return
  }
  func.func @transform_0(%arg0: i32) -> (i32, i32) {
    %c0_i32 = arith.constant 0 : i32
    %c0_i32_0 = arith.constant 0 : i32
    return %c0_i32, %arg0 : i32, i32
  }
  func.func @transform_1(%arg0: i32) -> (i32, i32) {
    %c0_i32 = arith.constant 0 : i32
    %c0_i32_0 = arith.constant 0 : i32
    %c0_i32_1 = arith.constant 0 : i32
    return %c0_i32, %c0_i32_0 : i32, i32
  }
  func.func @transform_2(%arg0: i32) -> (i32, i32) {
    %c0_i32 = arith.constant 0 : i32
    %c0_i32_0 = arith.constant 0 : i32
    %c0_i32_1 = arith.constant 0 : i32
    return %c0_i32, %c0_i32_0 : i32, i32
  }
  func.func @transform_3(%arg0: i32) -> (i32, i32) {
    %c0_i32 = arith.constant 0 : i32
    %c0_i32_0 = arith.constant 0 : i32
    return %arg0, %c0_i32 : i32, i32
  }
}

module attributes {stable_mosaic.version = 14 : i64} {
  func.func @_ep_body(%arg0: memref<1024x16xf32, #tpu.memory_space<vmem>>, %arg1: memref<2x1024x16xf32, #tpu.memory_space<vmem>>, %arg2: memref<2x1024x16xf32, #tpu.memory_space<vmem>>, %arg3: memref<1024x16xf32, #tpu.memory_space<vmem>>) attributes {dimension_semantics = [], scalar_prefetch = 0 : i64, scratch_operands = 0 : i64, tpu.core_type = #tpu.core_type<tc>} {
    %get3A = arith.constant 0 : index
    %get3A_0 = arith.constant 0 : index
    %get3A_1 = arith.constant 0 : index
    %get3A_2 = vector.load %arg1[%get3A, %get3A_0, %get3A_1] : memref<2x1024x16xf32, #tpu.memory_space<vmem>>, vector<1x1024x16xf32>
    %get3A_3 = vector.shape_cast %get3A_2 : vector<1x1024x16xf32> to vector<1024x16xf32>
    %get3A_4 = arith.constant 1 : index
    %get3A_5 = arith.constant 0 : index
    %get3A_6 = arith.constant 0 : index
    %get3A_7 = vector.load %arg1[%get3A_4, %get3A_5, %get3A_6] : memref<2x1024x16xf32, #tpu.memory_space<vmem>>, vector<1x1024x16xf32>
    %get3A_8 = vector.shape_cast %get3A_7 : vector<1x1024x16xf32> to vector<1024x16xf32>
    %add3A = arith.addf %get3A_3, %get3A_8 : vector<1024x16xf32>
    %get3A_9 = arith.constant 0 : index
    %get3A_10 = arith.constant 0 : index
    %get3A_11 = arith.constant 0 : index
    %get3A_12 = vector.load %arg2[%get3A_9, %get3A_10, %get3A_11] : memref<2x1024x16xf32, #tpu.memory_space<vmem>>, vector<1x1024x1xf32>
    %get3A_13 = vector.shape_cast %get3A_12 : vector<1x1024x1xf32> to vector<1024x1xf32>
    %get3A_14 = arith.constant 1 : index
    %get3A_15 = arith.constant 0 : index
    %get3A_16 = arith.constant 0 : index
    %get3A_17 = vector.load %arg2[%get3A_14, %get3A_15, %get3A_16] : memref<2x1024x16xf32, #tpu.memory_space<vmem>>, vector<1x1024x1xf32>
    %get3A_18 = vector.shape_cast %get3A_17 : vector<1x1024x1xf32> to vector<1024x1xf32>
    %add3A_19 = arith.addf %get3A_13, %get3A_18 : vector<1024x1xf32>
    %get3A_20 = arith.constant 0 : index
    %get3A_21 = arith.constant 0 : index
    %get3A_22 = vector.load %arg0[%get3A_20, %get3A_21] : memref<1024x16xf32, #tpu.memory_space<vmem>>, vector<1024x16xf32>
    %add3A_23 = arith.addf %get3A_22, %add3A : vector<1024x16xf32>
    %add3A_24 = arith.constant 9.99999993E-9 : f32
    %add3A_25 = vector.broadcast %add3A_24 : f32 to vector<1024x1xf32>
    %add3A_26 = arith.addf %add3A_19, %add3A_25 : vector<1024x1xf32>
    %div3A = vector.broadcast %add3A_26 : vector<1024x1xf32> to vector<1024x16xf32>
    %div3A_27 = arith.divf %add3A_23, %div3A : vector<1024x16xf32>
    %swap3A = arith.constant 0 : index
    %swap3A_28 = arith.constant 0 : index
    %swap3A_29 = vector.load %arg3[%swap3A, %swap3A_28] : memref<1024x16xf32, #tpu.memory_space<vmem>>, vector<1024x16xf32>
    tpu.vector_store %arg3[%swap3A, %swap3A_28], %div3A_27 {strides = array<i32>} : memref<1024x16xf32, #tpu.memory_space<vmem>>, vector<1024x16xf32>,
    return
  }
}

</mosaic_0001>

<sc_bundles>
// kernel: kernel.5.cloned.1.call-start
scs
__scs_entry_jumppad:
0x0: {  	(pc) =	sbr.rel $0x88, $3  }
0x1: {  	(tag) =	ssettag $0x0;
	lr =	simm.s32 $0x1  }
0x2: {  	[smem:$0x3F9B] =	sst lr;
	_ =	strace $0xD0000000  }
0x3: {  	_ = 	snop  }
0x4: {  	_ = 	snop  }
0x5: {  	_ = 	snop  }
0x6: {  	_ = 	snop  }
0x7: {  	_ = 	snop  }
__scs_overlays_trampoline_lowered:
0x8: {  	[smem:$0x3FAA] =	sst s0  }
0x9: {  	[smem:$0x3FAB] =	sst s1  }
0xa: {  	[smem:$0x3FAC] =	sst s2  }
0xb: {  	[smem:$0x3FAD] =	sst s3  }
0xc: {  	[smem:$0x3FAE] =	sst s4  }
0xd: {  	[smem:$0x3FAF] =	sst s5  }
0xe: {  	[smem:$0x3FB0] =	sst s6  }
0xf: {  	[smem:$0x3FB1] =	sst s7  }
0x10: {  	[smem:$0x3FB2] =	sst s8  }
0x11: {  	[smem:$0x3FB3] =	sst s9;
	s0 =	simm.s32 @!p0 $0x0  }
0x12: {  	s1 =	sld [smem:$0x3F99];
	s0 =	simm.s32 @p0 $0x1  }
0x13: {  	[smem:$0x3FB4] =	sst s0;
	s0 =	simm.s32 @!p1 $0x0  }
0x14: {  	s2 =	sld [smem:$0x3F98];
	s0 =	simm.s32 @p1 $0x1  }
0x15: {  	[smem:$0x3FB5] =	sst s0;
	s0 =	simm.s32 @!p2 $0x0  }
0x16: {  	s3 =	sld [smem:$0x3FDB];
	s0 =	simm.s32 @p2 $0x1  }
0x17: {  	s4 =	simm.s32 $0x1BF5;
	[smem:$0x3FB7] =	sst s0  }
0x18: {  	s0 =	sld [smem:$0x3F9A];
	_ =	swait.ge [sflag:s4], $0x0  }
0x19: {  	s7 =	sld [smem:$0x3F9B]  }
0x1a: {  	s8 =	sadd.s32 $0xFFFFE003, lr  }
0x1b: {  	s9 =	sadd.s32 $0xFFFFFEF7, lr;
	s5 =	simm.s32 $0xFFFFFFFF;
	p2 =	slt.u32 s8, $0xFFFFF086  }
0x1c: {  	p1 =	slt.u32 s9, $0xF7A;
	s5 =	simm.s32 @!p2 $0x0  }
0x1d: {  	s5 =	simm.s32 @p1 $0x1;
	p0 =	seq.s32 s7, s2  }
0x1e: {  	s7 =	smul.u32 @!p0 $0xF7A, s2;
	p2 =	seq.s32 @!p0 s5, $0x0  }
0x1f: {  	s9 =	smul.u32 $0xF7A, s1;
	s8 =	simm.s32 @!p0 $0x1BF5;
	p2 =	por !p2, p0  }
0x20: {  	[sflag:s8] =	ssyncset.s32 @!p0 $0xFFFFF086;
	s6 =	sadd.s32 @!p0 s3, s7;
	s7 =	simm.s32 @!p0 $0x108  }
0x21: {  	s3 =	sadd.s32 s3, s9;
	s6 =	sadd.s32 @!p0 $0x88, s6;
	s7 =	simm.s32 @p2 $0x1082  }
0x22: {  	[simem:s7], [sflag:s8] =	dma.local @!p0 [hbm:s6], $0xF7A  }
0x23: {  	s9 =	sor.u32 $0xD0000000, s2;
	s6 =	simm.s32 $0x108;
	_ =	swait.ge @!p0 [sflag:s8], $0x0  }
0x24: {  	s3 =	sadd.s32 $0x88, s3;
	s6 =	simm.s32 @!p1 $0x1082;
	[sflag:s4] =	ssyncset.s32 $0xFFFFF086  }
0x25: {  	[simem:s6], [sflag:s4] =	dma.local [hbm:s3], $0xF7A  }
0x26: {  	[smem:$0x3F9B] =	sst s1;
	(tag) =	ssettag s2;
	_ =	strace s9  }
0x27: {  	s1 =	sld [smem:$0x3FAB]  }
0x28: {  	s2 =	sld [smem:$0x3FAC]  }
0x29: {  	s4 =	sld [smem:$0x3FAE]  }
0x2a: {  	p0 =	seq.s32 s5, $0x0;
	s5 =	sld [smem:$0x3FAF]  }
0x2b: {  	s6 =	sld [smem:$0x3FB0]  }
0x2c: {  	s7 =	sld [smem:$0x3FB1]  }
0x2d: {  	s3 =	simm.s32 $0x108;
	s8 =	sld [smem:$0x3FB2]  }
0x2e: {  	s3 =	simm.s32 @!p0 $0x1082;
	s9 =	sld [smem:$0x3FB3]  }
0x2f: {  	lr =	sadd.s32 s0, s3;
	s0 =	sld [smem:$0x3FAA]  }
0x30: {  	s3 =	sld [smem:$0x3FAD]  }
0x31: {  	[smem:$0x3FB6] =	sst s10  }
0x32: {  	s10 =	sld [smem:$0x3FB4];
	_ =	sdelay $0x3  }
0x33: {  	p0 =	seq.s32 s10, $0x1;
	s10 =	sld [smem:$0x3FB6];
	_ =	sdelay $0x3  }
0x34: {  	[smem:$0x3FB6] =	sst s10  }
0x35: {  	s10 =	sld [smem:$0x3FB5];
	_ =	sdelay $0x3  }
0x36: {  	p1 =	seq.s32 s10, $0x1;
	s10 =	sld [smem:$0x3FB6];
	_ =	sdelay $0x3  }
0x37: {  	[smem:$0x3FB6] =	sst s10  }
0x38: {  	s10 =	sld [smem:$0x3FB7]  }
0x39: {  	_ = 	snop;
	(pc) =	sbr.ind lr, $3  }
0x3a: {  	_ = 	snop  }
0x3b: {  	_ = 	snop  }
0x3c: {  	p2 =	seq.s32 s10, $0x1;
	s10 =	sld [smem:$0x3FB6]  }
0x3d: {  	_ =	shalt  }
0x3e: {  	_ =	shalt  }
0x3f: {  	_ =	shalt  }
0x40: {  	_ =	shalt  }
0x41: {  	_ =	shalt  }
0x42: {  	_ =	shalt  }
0x43: {  	_ =	shalt  }
0x44: {  	_ =	shalt  }
0x45: {  	_ =	shalt  }
0x46: {  	_ =	shalt  }
0x47: {  	_ =	shalt  }
0x48: {  	_ =	shalt  }
0x49: {  	_ =	shalt  }
0x4a: {  	_ =	shalt  }
0x4b: {  	_ =	shalt  }
0x4c: {  	_ =	shalt  }
0x4d: {  	_ =	shalt  }
0x4e: {  	_ =	shalt  }
0x4f: {  	_ =	shalt  }
0x50: {  	_ =	shalt  }
0x51: {  	_ =	shalt  }
0x52: {  	_ =	shalt  }
0x53: {  	_ =	shalt  }
0x54: {  	_ =	shalt  }
0x55: {  	_ =	shalt  }
0x56: {  	_ =	shalt  }
0x57: {  	_ =	shalt  }
0x58: {  	_ =	shalt  }
0x59: {  	_ =	shalt  }
0x5a: {  	_ =	shalt  }
0x5b: {  	_ =	shalt  }
0x5c: {  	_ =	shalt  }
0x5d: {  	_ =	shalt  }
0x5e: {  	_ =	shalt  }
0x5f: {  	_ =	shalt  }
0x60: {  	_ =	shalt  }
0x61: {  	_ =	shalt  }
0x62: {  	_ =	shalt  }
0x63: {  	_ =	shalt  }
0x64: {  	_ =	shalt  }
0x65: {  	_ =	shalt  }
0x66: {  	_ =	shalt  }
0x67: {  	_ =	shalt  }
0x68: {  	_ =	shalt  }
0x69: {  	_ =	shalt  }
0x6a: {  	_ =	shalt  }
0x6b: {  	_ =	shalt  }
0x6c: {  	_ =	shalt  }
0x6d: {  	_ =	shalt  }
0x6e: {  	_ =	shalt  }
0x6f: {  	_ =	shalt  }
0x70: {  	_ =	shalt  }
0x71: {  	_ =	shalt  }
0x72: {  	_ =	shalt  }
0x73: {  	_ =	shalt  }
0x74: {  	_ =	shalt  }
0x75: {  	_ =	shalt  }
0x76: {  	_ =	shalt  }
0x77: {  	_ =	shalt  }
0x78: {  	_ =	shalt  }
0x79: {  	_ =	shalt  }
0x7a: {  	_ =	shalt  }
0x7b: {  	_ =	shalt  }
0x7c: {  	_ =	shalt  }
0x7d: {  	_ =	shalt  }
0x7e: {  	_ =	shalt  }
0x7f: {  	_ =	shalt  }
0x80: {  	_ =	shalt  }
0x81: {  	_ =	shalt  }
0x82: {  	_ =	shalt  }
0x83: {  	_ =	shalt  }
0x84: {  	_ =	shalt  }
0x85: {  	_ =	shalt  }
0x86: {  	_ =	shalt  }
0x87: {  	_ =	shalt  }
.Lfunc_end0:
.L_simem_size_0:
called_computation_lowered:
.L_overlay_start_0:
0x88: {  	s2 =	sld [smem:$0x3FD9]  }
0x89: {  	s3 =	sld [smem:$0x3FFE];
	_ =	sdelay $0x1  }
0x8a: {  	s1 =	srdreg.scid  }
0x8b: {  	s0 =	sand.u32 $0x1, s1  }
0x8c: {  	s16 =	sshll.u32 s0, $0xA;
	s2 =	sadd.s32 s3, s2  }
0x8d: {  	s2 =	sadd.s32 s2, s16  }
0x8e: {  	[smem:$0x3FC2] =	sst s2  }
0x8f: {  	_ = 	snop  }
0x90: {  	(tm) =	ssettm $0x1  }
0x91: {  	s17 =	sld [smem:$0x3FFB];
	_ =	sdelay $0x3  }
0x92: {  	_ =	strace s17  }
0x93: {  	s2 =	sld [smem:$0x3FFC];
	_ =	sdelay $0x3  }
0x94: {  	_ =	strace s2  }
0x95: {  	s2 =	sld [smem:$0x3FFD];
	_ =	sdelay $0x3  }
0x96: {  	_ =	strace s2  }
0x97: {  	_ =	strace $0x8FFFFFFF  }
0x98: {  	s18 =	sld [smem:$0x3FDB];
	_ =	sdelay $0x1  }
0x99: {  	s19 =	simm.s32 $_scs_section_size  }
0x9a: {  	s4 =	simm.s32 $_size__tile_overlayer_lowered;
	s5 =	simm.s32 $_tile_overlayer_lowered  }
0x9b: {  	s22 =	simm.s32 $0x1BFF;
	s21 =	sshll.u32 s5, $0x1;
	s2 =	sadd.s32 s19, s18  }
0x9c: {  	s6 =	simm.s32 $0x0;
	s20 =	sshll.u32 s4, $0x1;
	s4 =	sadd.s32 s21, s2  }
0x9d: {  	[timem:s6], [sflag:s22] =	dma.local [hbm:s4], s20  }
0x9e: {  	_ =	swait.ge [sflag:s22], s20  }
0x9f: {  	s3 =	ssub.s32 $0x0, s20;
	[sflag:s22] =	ssyncset.done $0x0  }
0xa0: {  	[sflag:s22] =	ssyncadd.s32 s3;
	_ =	sdelay $0x1  }
0xa1: {  	s23 =	simm.s32 $0x1B8B  }
0xa2: {  	_ =	swait.ge [sflag:s23], $0x1  }
0xa3: {  	[sflag:s23] =	ssyncset.done $0x0  }
0xa4: {  	s25 =	simm.s32 $0x1B8E;
	s24 =	sld [smem:$0x3FFE];
	[sflag:s23] =	ssyncadd.s32 $0xFFFFFFFF  }
0xa5: {  	s26 =	simm.s32 $execute0_lowered;
	[smem:$0x3FD2] =	sst s25  }
0xa6: {  	s4 =	sshll.u32 s26, $0x1;
	_ =	strace $0x80000046;
	[dreg:$0x1] =	wrdreg $0xFFFFFFFF  }
0xa7: {  	s28 =	simm.s32 $_size_execute0_lowered;
	s2 =	sadd.s32 s2, s4;
	[dreg:$0x0] =	wrdreg $0x0  }
0xa8: {  	s4 =	sshll.u32 s28, $0x1;
	[dreg:$0x2] =	wrdreg s2  }
0xa9: {  	[dreg:$0x3] =	wrdreg s4  }
0xaa: {  	[dreg:$0x4] =	wrdreg $0xC0  }
0xab: {  	_ =	task [dreg:s6], $0x5FFFF  }
0xac: {  	[dreg:$0x1] =	wrdreg $0xFFFFFFFF  }
0xad: {  	[dreg:$0x0] =	wrdreg $0x60  }
0xae: {  	[dreg:$0x2] =	wrdreg s24  }
0xaf: {  	[dreg:$0x3] =	wrdreg $0xA3000  }
0xb0: {  	[dreg:$0x4] =	wrdreg $0xA7080  }
0xb1: {  	[dreg:$0x5] =	wrdreg $0x9  }
0xb2: {  	_ =	task.clear_ibuf [dreg:s6], $0x6FFFF;
	_ =	strace $0x90000046  }
0xb3: {  	s29 =	simm.s32 $0x9;
	_ =	strace $0x80000048  }
0xb4: {  	_ =	swait.ge [sflag:s29], $0x1  }
0xb5: {  	[sflag:s29] =	ssyncadd.s32 $0xFFFFFFFF  }
0xb6: {  	_ =	strace $0x90000048  }
0xb7: {  	_ =	sfence  }
0xb8: {  	s30 =	sld [smem:$0x0];
	_ =	sdelay $0x2  }
0xb9: {  	s31 =	sshll.u32 s1, $0xD;
	s1 =	sshrl.u32 s1, $0x2  }
0xba: {  	s3 =	sand.u32 $0x4000, s31;
	s1 =	sadd.s32 s1, s30  }
0xbb: {  	s0 =	sor.u32 s3, s0;
	s1 =	sshll.u32 s1, $0x11  }
0xbc: {  	s0 =	sor.u32 s1, s0  }
0xbd: {  	s0 =	sadd.s32 $0x8F2B, s0  }
0xbe: {  	[sflag:s0] =	ssyncadd.remote.s32 $0x1  }
0xbf: {  	_ =	sfence.sel $0xFFFF  }
0xc0: {  	[dreg:$0x0] =	wrdreg $0xFFFFFFFF;
	(pc) =	sbr.abs _section_cstart, $3  }
0xc1: {  	[dreg:$0x1] =	wrdreg $0xFFFFFFFF  }
0xc2: {  	_ =	task.clear_ibuf [dreg:s6], $0x2FFFF;
	_ =	strace $0x9FFFFFFF  }
0xc3: {  	(tm) =	ssettm $0x7FFFFFFF  }
tec
execute0_lowered:
.L_overlay_start_1:
0x0: {  	(tag) =	ssettag $0x1  }
0x1: {  	s0 =	rddreg [dreg:$0x0]  }
0x2: {  	s2 =	srdreg.scid;
	s1 =	rddreg [dreg:$0x1]  }
0x3: {  	s11 =	stileid.u32;
	s3 =	simm.s32 $0x0;
	s14 =	simm.s32 $0x7  }
0x4: {  	s15 =	simm.s32 $0x9B00;
	s16 =	simm.s32 $0x80;
	s22 =	simm.s32 $0x9300  }
0x5: {  	s23 =	simm.s32 $0x5;
	s6 =	sand.u32 $0x1, s2;
	s2 =	rddreg [dreg:$0x2]  }
0x6: {  	s24 =	simm.s32 $0x6;
	s25 =	simm.s32 $0x0;
	[smem:$0x7FF] =	sst s3  }
0x7: {  	p0 =	sne.s32 s11, $0x0;
	s4 =	sshll.u32 s6, $0x4;
	_ =	strace $0x80000047  }
0x8: {  	s7 =	smul.u32 $0x810, s6;
	s9 =	ssub.s32 $0x2, s6;
	s4 =	sor.u32 s11, s4  }
0x9: {  	s6 =	sadd.s32 $0x20F800, s0;
	s31 =	sshrl.u32 s9, $0x1;
	s5 =	smul.u32 $0x7B0, s4  }
0xa: {  	s13 =	sshrl.u32 @!p0 s2, $0x3;
	s4 =	sadd.s32 $0x1F800, s0;
	s12 =	ssub.s32 s9, s31  }
0xb: {  	s11 =	smax.u32 s12, $0x1;
	s8 =	sadd.s32 s5, s0;
	s5 =	sadd.s32 $0xA00, s0  }
0xc: {  	s0 =	sadd.s32 s7, s0;
	s7 =	sadd.s32 $0xC00, s8;
	s8 =	sadd.s32 $0x10200, s8  }
0xd: {  	s12 =	sshrl.u32 @!p0 s1, $0x3;
	s9 =	sadd.s32 $0x210200, s0;
	s10 =	sadd.s32 $0x211400, s0  }
.LBB2_1:
0xe: {  	s0 =	simm.s32 @!p0 $0x1C07;
	s17 =	simm.s32 @!p0 $0x7  }
0xf: {  	[spmem:s12], [sflag:s0] =	dma.local @!p0 [hbm:s6], $0x810  }
0x10: {  	_ =	swait.ge @!p0 [sflag:s17], $0x810  }
0x11: {  	[sflag:s17] =	ssyncset.done @!p0 $0x0  }
0x12: {  	[sflag:s17] =	ssyncadd.s32 @!p0 $0xFFFFF7F0  }
0x13: {  	[spmem:s13], [sflag:s0] =	dma.local @!p0 [hbm:s6], $0x810  }
0x14: {  	_ =	swait.ge @!p0 [sflag:s17], $0x810  }
0x15: {  	[sflag:s17] =	ssyncset.done @!p0 $0x0  }
0x16: {  	[sflag:s17] =	ssyncadd.s32 @!p0 $0xFFFFF7F0  }
0x17: {  	[tilespmem:s3], [sflag:$0x7] =	stream.linear.gather [hbm4b:s7+s3], $0x3D80, $0x38;
	[tilespmem:$0xAB10] =	vst v63  }
0x18: {  	_ =	swait.ge [sflag:s14], $0x3D80  }
0x19: {  	[sflag:s14] =	ssyncset.done $0x0  }
0x1a: {  	s0 =	simm.s32 $0x3D80;
	[sflag:s14] =	ssyncadd.s32 $0xFFFFC280  }
0x1b: {  	[tilespmem:s0], [sflag:$0x7] =	stream.linear.gather [hbm4b:s8+s3], $0x3D80, $0x38;
	[tilespmem:$0xAB10] =	vst v63  }
0x1c: {  	_ =	swait.ge [sflag:s14], $0x3D80  }
0x1d: {  	[sflag:s14] =	ssyncset.done $0x0  }
0x1e: {  	[sflag:s14] =	ssyncadd.s32 $0xFFFFC280  }
0x1f: {  	[tilespmem:s15], [sflag:$0x7] =	stream.linear.gather [hbm4b:s5+s3], $0x800, $0x38;
	[tilespmem:$0xAB10] =	vst v63  }
0x20: {  	_ =	swait.ge [sflag:s14], $0x800  }
0x21: {  	[sflag:s14] =	ssyncset.done $0x0  }
0x22: {  	[sflag:s14] =	ssyncadd.s32 $0xFFFFF800  }
0x23: {  	s18 =	simm.s32 $0x7B00;
	[bflag:$0x0] =	sbarrier.arrive $0xFFFF  }
0x24: {  	[tilespmem:s18], [sflag:$0x1] =	stream.indirect.gather [hbm4b:s4+s16], $0x10, s3, s16, $0xb8;
	[tilespmem:$0xAB10] =	vst v63  }
0x25: {  	s19 =	simm.s32 $0x8300  }
0x26: {  	[tilespmem:s19], [sflag:$0x2] =	stream.indirect.gather [hbm4b:s4+s16], $0x10, s16, s16, $0xb8;
	[tilespmem:$0xAB10] =	vst v63  }
0x27: {  	s20 =	simm.s32 $0x100;
	s26 =	sand.u32 $0x3, s3;
	s18 =	simm.s32 $0x8B00  }
0x28: {  	[tilespmem:s18], [sflag:$0x3] =	stream.indirect.gather [hbm4b:s4+s16], $0x10, s20, s16, $0xb8;
	[tilespmem:$0xAB10] =	vst v63  }
0x29: {  	s21 =	simm.s32 $0x180;
	s29 =	sadd.s32 $0x1, s26  }
0x2a: {  	[tilespmem:s22], [sflag:$0x4] =	stream.indirect.gather [hbm4b:s4+s16], $0x10, s21, s16, $0xb8;
	[tilespmem:$0xAB10] =	vst v63  }
0x2b: {  	_ =	swait.ge [sflag:s29], $0x800  }
0x2c: {  	s17 =	sshll.u32 s26, $0xB;
	[sflag:s29] =	ssyncset.done $0x0  }
0x2d: {  	s31 =	sadd.s32 $0x7B00, s17;
	[sflag:s29] =	ssyncadd.s32 $0xFFFFF800  }
0x2e: {  	[spmem:s1] =	stream.indirect.scatter.add.f32 [tilespmem:s31], [sflag:$0x5], $0x10, s0, s16, $0xb8;
	[tilespmem:$0xAB10] =	vst v63  }
0x2f: {  	_ = 	snop  }
0x30: {  	[spmem:s2] =	stream.indirect.scatter.add.f32 [tilespmem:s15], [sflag:$0x6], $0x10, s0, s16, $0xb8;
	[tilespmem:$0xAB10] =	vst v63  }
0x31: {  	_ =	swait.ge [sflag:s23], $0x800  }
0x32: {  	s30 =	simm.s32 $0x3E00;
	p2 =	por $0x0, $0x0;
	[sflag:s23] =	ssyncset.done $0x0  }
0x33: {  	s28 =	simm.s32 $0x280;
	s26 =	simm.s32 $0x1;
	[sflag:s23] =	ssyncadd.s32 $0xFFFFF800  }
0x34: {  	s17 =	simm.s32 $0x200;
	s19 =	simm.s32 @!p2 $0x80;
	_ =	swait.ge [sflag:s24], $0x800  }
0x35: {  	s18 =	sand.u32 $0x3, s26;
	s0 =	simm.s32 $0x2;
	[sflag:s24] =	ssyncset.done $0x0  }
.LBB2_2:
0x36: {  	s20 =	sadd.s32 $0x1, s18;
	[sflag:s24] =	ssyncadd.s32 $0xFFFFF800  }
0x37: {  	s21 =	smov.u32 s26;
	s26 =	smov.u32 s0;
	s0 =	sadd.s32 $0x1, s0  }
0x38: {  	[tilespmem:s31], [sflag:s29] =	stream.indirect.gather @!p2 [hbm4b:s4+s19], $0x10, s17, s19, $0xb8;
	[tilespmem:$0xAB10] =	vst v63  }
0x39: {  	p1 =	sne.s32 s0, $0x7B;
	s29 =	smov.u32 s20;
	_ =	swait.ge [sflag:s20], $0x800  }
0x3a: {  	s18 =	sshll.u32 s18, $0xB;
	s17 =	smov.u32 s28;
	[sflag:s29] =	ssyncset.done $0x0  }
0x3b: {  	s31 =	sadd.s32 $0x7B00, s18;
	[sflag:s29] =	ssyncadd.s32 $0xFFFFF800  }
0x3c: {  	[spmem:s1] =	stream.indirect.scatter.add.f32 [tilespmem:s31], [sflag:$0x5], $0x10, s30, s16, $0xb8;
	[tilespmem:$0xAB10] =	vst v63  }
0x3d: {  	_ = 	snop  }
0x3e: {  	[spmem:s2] =	stream.indirect.scatter.add.f32 [tilespmem:s15], [sflag:$0x6], $0x10, s30, s16, $0xb8;
	[tilespmem:$0xAB10] =	vst v63  }
.Ltmp0:
0x3f: {  	_ =	swait.ge [sflag:s23], $0x800;
	(pc) =	sbr.rel @p1 .LBB2_2-.Ltmp0, $4  }
0x40: {  	[sflag:s23] =	ssyncset.done $0x0  }
0x41: {  	s30 =	sadd.s32 $0x80, s30;
	[sflag:s23] =	ssyncadd.s32 $0xFFFFF800  }
0x42: {  	p2 =	sgt.u32 s21, $0x76;
	s28 =	sadd.s32 $0x80, s28;
	_ =	swait.ge [sflag:s24], $0x800  }
0x43: {  	s18 =	sand.u32 $0x3, s26;
	s19 =	simm.s32 @!p2 $0x80;
	[sflag:s24] =	ssyncset.done $0x0  }
0x44: {  	s0 =	sadd.s32 $0x1, s18;
	[sflag:s24] =	ssyncadd.s32 $0xFFFFF800  }
0x45: {  	[tilespmem:s31], [sflag:s29] =	stream.indirect.gather @!p2 [hbm4b:s4+s19], $0x10, s17, s19, $0xb8;
	[tilespmem:$0xAB10] =	vst v63  }
0x46: {  	_ =	swait.ge [sflag:s0], $0x800  }
0x47: {  	s31 =	sshll.u32 s18, $0xB;
	[sflag:s0] =	ssyncset.done $0x0  }
0x48: {  	s17 =	sadd.s32 $0x7B00, s31;
	[sflag:s0] =	ssyncadd.s32 $0xFFFFF800  }
0x49: {  	[spmem:s1] =	stream.indirect.scatter.add.f32 [tilespmem:s17], [sflag:$0x5], $0x10, s30, s16, $0xb8;
	[tilespmem:$0xAB10] =	vst v63  }
0x4a: {  	_ = 	snop  }
0x4b: {  	[spmem:s2] =	stream.indirect.scatter.add.f32 [tilespmem:s15], [sflag:$0x6], $0x10, s30, s16, $0xb8;
	[tilespmem:$0xAB10] =	vst v63  }
0x4c: {  	_ =	swait.ge [sflag:s23], $0x800  }
0x4d: {  	[sflag:s23] =	ssyncset.done $0x0  }
0x4e: {  	[sflag:s23] =	ssyncadd.s32 $0xFFFFF800  }
0x4f: {  	_ =	swait.ge [sflag:s24], $0x800  }
0x50: {  	p1 =	sgt.u32 s26, $0x76;
	[sflag:s24] =	ssyncset.done $0x0  }
0x51: {  	s18 =	simm.s32 @!p1 $0x80;
	[sflag:s24] =	ssyncadd.s32 $0xFFFFF800  }
0x52: {  	[tilespmem:s17], [sflag:s0] =	stream.indirect.gather @!p1 [hbm4b:s4+s18], $0x10, s28, s18, $0xb8;
	[tilespmem:$0xAB10] =	vst v63  }
0x53: {  	s0 =	simm.s32 @!p0 $0x1C07;
	s17 =	simm.s32 @!p0 $0x7;
	[bflag:$0x0] =	sbarrier.arrive $0xFFFF  }
0x54: {  	[hbm:s9], [sflag:s0] =	dma.local @!p0 [spmem:s12], $0x810  }
0x55: {  	s25 =	sadd.s32 $0x1, s25;
	_ =	swait.ge @!p0 [sflag:s17], $0x810  }
0x56: {  	p1 =	sne.s32 s25, s11;
	[sflag:s17] =	ssyncset.done @!p0 $0x0  }
.Ltmp1:
0x57: {  	[sflag:s17] =	ssyncadd.s32 @!p0 $0xFFFFF7F0;
	(pc) =	sbr.rel @p1 .LBB2_1-.Ltmp1, $4  }
0x58: {  	[hbm:s10], [sflag:s0] =	dma.local @!p0 [spmem:s13], $0x810  }
0x59: {  	_ =	swait.ge @!p0 [sflag:s17], $0x810  }
0x5a: {  	[sflag:s17] =	ssyncset.done @!p0 $0x0  }
0x5b: {  	[sflag:s17] =	ssyncadd.s32 @!p0 $0xFFFFF7F0  }
0x5c: {  	_ =	sfence.sel $0x180000  }
0x5d: {  	[bflag:$0x0] =	sbarrier.arrive $0xFFFF  }
0x5e: {  	_ =	strace $0x90000047  }
0x5f: {  	[bflag:$0x2] =	sbarrier.arrive $0xFFFF  }
0x60: {  	s0 =	rddreg [dreg:$0x3]  }
0x61: {  	s0 =	sadd.s32 @!p0 $0x100000, s0  }
0x62: {  	[sflag:s0] =	ssyncadd.tile.s32 @!p0 $0x1;
	_ =	shalt  }
.Lfunc_end2:
_tile_overlayer_lowered:
.L_overlay_start_2:
0x63: {  	(tag) =	ssettag $0x2  }
0x64: {  	s0 =	rddreg [dreg:$0x0];
	s2 =	stileid.u32  }
0x65: {  	s1 =	rddreg [dreg:$0x1];
	p0 =	sne.s32 s2, $0x0  }
0x66: {  	s3 =	rddreg [dreg:$0x2];
	[bflag:$0x3] =	sbarrier.arrive $0xFFFF;
	s2 =	simm.s32 @!p0 $0x1C07  }
0x67: {  	[timem:s3], [sflag:s2] =	dma.local @!p0 [hbm:s0], s1  }
0x68: {  	s0 =	simm.s32 @!p0 $0x7  }
0x69: {  	_ =	swait.ge @!p0 [sflag:s0], s1  }
0x6a: {  	s1 =	ssub.s32 @!p0 $0x0, s1;
	[sflag:s0] =	ssyncset.done @!p0 $0x0  }
0x6b: {  	[sflag:s0] =	ssyncadd.s32 @!p0 s1  }
0x6c: {  	[bflag:$0x3] =	sbarrier.arrive $0xFFFF  }
0x6d: {  	_ =	shalt  }

</sc_bundles>
